<compile_context>
chip_gen: v7x
topology: tpu7x:2x2x1
jax: 0.10.2.dev20260603
libtpu: 0.0.44.dev20260713+nightly
codegen_flags: <defaults>
</compile_context>

<pallas_src>
import functools

import jax
import jax.numpy as jnp
import numpy as np
from jax import lax
from jax.experimental import pallas as pl
from jax.experimental.pallas import tpu as pltpu
from jax.experimental.pallas import tpu_sc as plsc

_ATOMIC_NUMBERS = np.array(
    sorted({1, 2, 4, 5, 6, 7, 8, 9, 12, 14, 15, 16, 17, 18, 20, 22, 30, 31,
            32, 33, 34, 35}),
    dtype=np.int32,
)
_NUM_TYPES = 22
_SCALING = 1.5
_N_NODES = 100000

_SC_NODES = 4096
_SC_BLOCK = 4096
_NW = 32
_NODES_PW = _SC_NODES // _NW
_GROUPS_PW = _NODES_PW // 16

_LOOKUP = np.zeros((40,), dtype=np.int32)
_LOOKUP[_ATOMIC_NUMBERS] = np.arange(_NUM_TYPES, dtype=np.int32)


def _make_sc_lookup():
    mesh = plsc.VectorSubcoreMesh(core_axis_name="c", subcore_axis_name="s")

    @functools.partial(
        pl.kernel,
        mesh=mesh,
        out_type=jax.ShapeDtypeStruct((_SC_NODES,), jnp.int32),
        scratch_types=[
            pltpu.VMEM((_NODES_PW,), jnp.int32),
            pltpu.VMEM((40,), jnp.int32),
            pltpu.VMEM((_NODES_PW,), jnp.int32),
        ],
        compiler_params=pltpu.CompilerParams(needs_layout_passes=False),
    )
    def sc_lookup(node_hbm, tbl_hbm, cls_hbm, nt_v, tbl_v, cls_v):
        wid = lax.axis_index("s") * 2 + lax.axis_index("c")
        base = wid * _NODES_PW
        pltpu.sync_copy(node_hbm.at[pl.ds(base, _NODES_PW)], nt_v)
        pltpu.sync_copy(tbl_hbm, tbl_v)
        for j in range(_GROUPS_PW):
            o = j * 16
            z = nt_v[pl.ds(o, 16)] + 1
            cls_v[pl.ds(o, 16)] = plsc.load_gather(tbl_v, [z])
        pltpu.sync_copy(cls_v, cls_hbm.at[pl.ds(base, _NODES_PW)])

    return sc_lookup


_SC_LOOKUP = _make_sc_lookup()


def _tc_tail_body(nt_ref, atoms_ref, out_ref):
    z = nt_ref[...].reshape(1, _N_NODES) + 1
    atoms = atoms_ref[...]
    col = lax.broadcasted_iota(jnp.int32, (1, _N_NODES), 1)
    hit = (z == atoms) & (col >= _SC_NODES)
    out_ref[...] = jnp.where(hit, jnp.float32(_SCALING), jnp.float32(0.0))


def _tc_head_body(cls_ref, prev_ref, out_ref):
    del prev_ref
    cls = cls_ref[...].reshape(1, _SC_BLOCK)
    j = lax.broadcasted_iota(jnp.int32, (_NUM_TYPES, 1), 0)
    out_ref[...] = jnp.where(cls == j, jnp.float32(_SCALING), jnp.float32(0.0))


def kernel(node_type, pos):
    del pos
    nt = node_type.astype(jnp.int32).reshape(-1)
    tbl = jnp.asarray(_LOOKUP)
    atoms = jnp.asarray(_ATOMIC_NUMBERS).reshape(_NUM_TYPES, 1)

    cls_head = _SC_LOOKUP(nt, tbl)

    out_tail = pl.pallas_call(
        _tc_tail_body,
        out_shape=jax.ShapeDtypeStruct((_NUM_TYPES, _N_NODES), jnp.float32),
    )(nt, atoms)

    grid = _SC_NODES // _SC_BLOCK
    out_t = pl.pallas_call(
        _tc_head_body,
        grid=(grid,),
        in_specs=[
            pl.BlockSpec((_SC_BLOCK,), lambda i: (i,)),
            pl.BlockSpec((_NUM_TYPES, _SC_BLOCK), lambda i: (0, i)),
        ],
        out_specs=pl.BlockSpec((_NUM_TYPES, _SC_BLOCK), lambda i: (0, i)),
        out_shape=jax.ShapeDtypeStruct((_NUM_TYPES, _N_NODES), jnp.float32),
        input_output_aliases={1: 0},
    )(cls_head, out_tail)
    return out_t.T

# --- scband reference (transcript-rebuilt; emitter-appended) ---
"""Pipeline reference for scband-one-hot-atom-encoding-from-atom-num-22539988369567 (READ-ONLY COPY).

The authoritative reference and input builder live on the scoring server;
editing this copy changes nothing except your own understanding.
"""

import jax, jax.numpy as jnp
import numpy as np

# The module hard-codes this set of 22 allowed atomic numbers
ATOMIC_NUMBERS = np.array(sorted({1, 2, 4, 5, 6, 7, 8, 9, 12, 14, 15, 16, 17, 18, 20, 22, 30, 31, 32, 33, 34, 35}), dtype=np.int64)
NUM_TYPES = 22
SCALING_FACTOR = 1.5
N_NODES = 100000


def setup_inputs(seed: int = 0) -> dict:
    key = jax.random.key(seed)
    k1, k2 = jax.random.split(key)
    # Sample class indices 0..21, then map to valid atomic numbers so that
    # (node_type + 1) is always a member of ATOMIC_NUMBERS (required by the
    # module's assert that every row of the one-hot sums to 1).
    cls = jax.random.randint(k1, (N_NODES,), 0, NUM_TYPES)
    node_type = (jnp.asarray(ATOMIC_NUMBERS)[cls] - 1).reshape(N_NODES, 1)
    pos = jax.random.normal(k2, (N_NODES, 3), dtype=jnp.float32)
    return {"node_type": node_type, "pos": pos}


def reference(node_type, pos):
    # type_numbers = node_type.squeeze(-1) + 1  (atomic numbers)
    type_numbers = node_type.squeeze(-1) + 1
    # AtomTypeMapper.to_one_hot: map atomic number -> contiguous class index,
    # then one-hot encode. Implemented as a dense lookup table (gather).
    max_z = int(ATOMIC_NUMBERS.max()) + 1
    lookup_np = np.zeros((max_z,), dtype=np.int64)
    lookup_np[ATOMIC_NUMBERS] = np.arange(NUM_TYPES, dtype=np.int64)
    lookup = jnp.asarray(lookup_np)
    cls = jnp.take(lookup, type_numbers, axis=0)
    one_hot = jax.nn.one_hot(cls, NUM_TYPES, dtype=pos.dtype)
    # scaling_factor branch
    one_hot = SCALING_FACTOR * one_hot
    # module sets node_attrs, scaled_node_types_one_hot, node_features all to
    # the same tensor; return it once.
    return one_hot

if __name__ == "__main__":
    import jax
    _d = setup_inputs()
    print(jax.jit(kernel)(*tuple(_d.values())))

</pallas_src>

<mosaic_0001>
#map = affine_map<(d0, d1) -> (0)>
module attributes {stable_mosaic.version = 14 : i64} {
  func.func @sc_lookup(%arg0: i32, %arg1: i32, %arg2: memref<100000xi32, #tpu.memory_space<hbm>>, %arg3: memref<40xi32, #tpu.memory_space<hbm>>, %arg4: memref<4096xi32, #tpu.memory_space<hbm>>, %arg5: memref<128xi32, #tpu.memory_space<vmem>>, %arg6: memref<40xi32, #tpu.memory_space<vmem>>, %arg7: memref<128xi32, #tpu.memory_space<vmem>>) attributes {dimension_semantics = [#tpu.dimension_semantics<core_parallel>, #tpu.dimension_semantics<subcore_parallel>], iteration_bounds = array<i64: 2, 16>, scalar_prefetch = 0 : i64, scratch_operands = 3 : i64, tpu.core_type = #tpu.core_type<sc_vector_subcore>, window_params = [{transform_indices = #map}, {transform_indices = #map}, {transform_indices = #map}]} {
    %mul3A = arith.constant 2 : i32
    %mul3A_0 = arith.muli %arg1, %mul3A : i32
    %add3A = arith.addi %mul3A_0, %arg0 : i32
    %mul3A_1 = arith.constant 128 : i32
    %mul3A_2 = arith.muli %add3A, %mul3A_1 : i32
    "tpu.region"() ({
      %run_scoped3A = tpu.sem_alloc : memref<!tpu.dma_semaphore, #tpu.memory_space<semaphore_mem>>
      %dma_start3A = tpu.memref_slice %arg2[%mul3A_2] : memref<100000xi32, #tpu.memory_space<hbm>> -> memref<128xi32, #tpu.memory_space<hbm>>
      %dma_start3A_64 = tpu.memref_slice %arg2[%mul3A_2] : memref<100000xi32, #tpu.memory_space<hbm>> -> memref<128xi32, #tpu.memory_space<hbm>>
      tpu.enqueue_dma source(%dma_start3A_64 : memref<128xi32, #tpu.memory_space<hbm>>) target(%arg5 : memref<128xi32, #tpu.memory_space<vmem>>) target_semaphore(%run_scoped3A : memref<!tpu.dma_semaphore, #tpu.memory_space<semaphore_mem>>)
      %dma_wait3A = tpu.memref_slice %arg2[%mul3A_2] : memref<100000xi32, #tpu.memory_space<hbm>> -> memref<128xi32, #tpu.memory_space<hbm>>
      %dma_wait3A_65 = tpu.memref_slice %arg2[%mul3A_2] : memref<100000xi32, #tpu.memory_space<hbm>> -> memref<128xi32, #tpu.memory_space<hbm>>
      tpu.wait_dma2 semaphore(%run_scoped3A : memref<!tpu.dma_semaphore, #tpu.memory_space<semaphore_mem>>) src(%dma_wait3A_65 : memref<128xi32, #tpu.memory_space<hbm>>) dst(%arg5 : memref<128xi32, #tpu.memory_space<vmem>>)
      tpu.yield
    }) : () -> ()
    "tpu.region"() ({
      %run_scoped3A = tpu.sem_alloc : memref<!tpu.dma_semaphore, #tpu.memory_space<semaphore_mem>>
      tpu.enqueue_dma source(%arg3 : memref<40xi32, #tpu.memory_space<hbm>>) target(%arg6 : memref<40xi32, #tpu.memory_space<vmem>>) target_semaphore(%run_scoped3A : memref<!tpu.dma_semaphore, #tpu.memory_space<semaphore_mem>>)
      tpu.wait_dma2 semaphore(%run_scoped3A : memref<!tpu.dma_semaphore, #tpu.memory_space<semaphore_mem>>) src(%arg3 : memref<40xi32, #tpu.memory_space<hbm>>) dst(%arg6 : memref<40xi32, #tpu.memory_space<vmem>>)
      tpu.yield
    }) : () -> ()
    %get3A = arith.constant 0 : index
    %get3A_3 = tpu.vector_load %arg5[%get3A] {strides = array<i32>} : memref<128xi32, #tpu.memory_space<vmem>>, vector<16xi32>,
    %add3A_4 = arith.constant 1 : i32
    %add3A_5 = vector.broadcast %add3A_4 : i32 to vector<16xi32>
    %add3A_6 = arith.addi %get3A_3, %add3A_5 : vector<16xi32>
    %gather3A = tpu.vector_load_idx %arg6[%add3A_6] : memref<40xi32, #tpu.memory_space<vmem>>[vector<16xi32>], vector<16xi32>,
    %swap3A = arith.constant 0 : index
    %swap3A_7 = tpu.vector_load %arg7[%swap3A] {strides = array<i32>} : memref<128xi32, #tpu.memory_space<vmem>>, vector<16xi32>,
    tpu.vector_store %arg7[%swap3A], %gather3A {strides = array<i32>} : memref<128xi32, #tpu.memory_space<vmem>>, vector<16xi32>,
    %get3A_8 = arith.constant 16 : index
    %get3A_9 = tpu.vector_load %arg5[%get3A_8] {strides = array<i32>} : memref<128xi32, #tpu.memory_space<vmem>>, vector<16xi32>,
    %add3A_10 = arith.constant 1 : i32
    %add3A_11 = vector.broadcast %add3A_10 : i32 to vector<16xi32>
    %add3A_12 = arith.addi %get3A_9, %add3A_11 : vector<16xi32>
    %gather3A_13 = tpu.vector_load_idx %arg6[%add3A_12] : memref<40xi32, #tpu.memory_space<vmem>>[vector<16xi32>], vector<16xi32>,
    %swap3A_14 = arith.constant 16 : index
    %swap3A_15 = tpu.vector_load %arg7[%swap3A_14] {strides = array<i32>} : memref<128xi32, #tpu.memory_space<vmem>>, vector<16xi32>,
    tpu.vector_store %arg7[%swap3A_14], %gather3A_13 {strides = array<i32>} : memref<128xi32, #tpu.memory_space<vmem>>, vector<16xi32>,
    %get3A_16 = arith.constant 32 : index
    %get3A_17 = tpu.vector_load %arg5[%get3A_16] {strides = array<i32>} : memref<128xi32, #tpu.memory_space<vmem>>, vector<16xi32>,
    %add3A_18 = arith.constant 1 : i32
    %add3A_19 = vector.broadcast %add3A_18 : i32 to vector<16xi32>
    %add3A_20 = arith.addi %get3A_17, %add3A_19 : vector<16xi32>
    %gather3A_21 = tpu.vector_load_idx %arg6[%add3A_20] : memref<40xi32, #tpu.memory_space<vmem>>[vector<16xi32>], vector<16xi32>,
    %swap3A_22 = arith.constant 32 : index
    %swap3A_23 = tpu.vector_load %arg7[%swap3A_22] {strides = array<i32>} : memref<128xi32, #tpu.memory_space<vmem>>, vector<16xi32>,
    tpu.vector_store %arg7[%swap3A_22], %gather3A_21 {strides = array<i32>} : memref<128xi32, #tpu.memory_space<vmem>>, vector<16xi32>,
    %get3A_24 = arith.constant 48 : index
    %get3A_25 = tpu.vector_load %arg5[%get3A_24] {strides = array<i32>} : memref<128xi32, #tpu.memory_space<vmem>>, vector<16xi32>,
    %add3A_26 = arith.constant 1 : i32
    %add3A_27 = vector.broadcast %add3A_26 : i32 to vector<16xi32>
    %add3A_28 = arith.addi %get3A_25, %add3A_27 : vector<16xi32>
    %gather3A_29 = tpu.vector_load_idx %arg6[%add3A_28] : memref<40xi32, #tpu.memory_space<vmem>>[vector<16xi32>], vector<16xi32>,
    %swap3A_30 = arith.constant 48 : index
    %swap3A_31 = tpu.vector_load %arg7[%swap3A_30] {strides = array<i32>} : memref<128xi32, #tpu.memory_space<vmem>>, vector<16xi32>,
    tpu.vector_store %arg7[%swap3A_30], %gather3A_29 {strides = array<i32>} : memref<128xi32, #tpu.memory_space<vmem>>, vector<16xi32>,
    %get3A_32 = arith.constant 64 : index
    %get3A_33 = tpu.vector_load %arg5[%get3A_32] {strides = array<i32>} : memref<128xi32, #tpu.memory_space<vmem>>, vector<16xi32>,
    %add3A_34 = arith.constant 1 : i32
    %add3A_35 = vector.broadcast %add3A_34 : i32 to vector<16xi32>
    %add3A_36 = arith.addi %get3A_33, %add3A_35 : vector<16xi32>
    %gather3A_37 = tpu.vector_load_idx %arg6[%add3A_36] : memref<40xi32, #tpu.memory_space<vmem>>[vector<16xi32>], vector<16xi32>,
    %swap3A_38 = arith.constant 64 : index
    %swap3A_39 = tpu.vector_load %arg7[%swap3A_38] {strides = array<i32>} : memref<128xi32, #tpu.memory_space<vmem>>, vector<16xi32>,
    tpu.vector_store %arg7[%swap3A_38], %gather3A_37 {strides = array<i32>} : memref<128xi32, #tpu.memory_space<vmem>>, vector<16xi32>,
    %get3A_40 = arith.constant 80 : index
    %get3A_41 = tpu.vector_load %arg5[%get3A_40] {strides = array<i32>} : memref<128xi32, #tpu.memory_space<vmem>>, vector<16xi32>,
    %add3A_42 = arith.constant 1 : i32
    %add3A_43 = vector.broadcast %add3A_42 : i32 to vector<16xi32>
    %add3A_44 = arith.addi %get3A_41, %add3A_43 : vector<16xi32>
    %gather3A_45 = tpu.vector_load_idx %arg6[%add3A_44] : memref<40xi32, #tpu.memory_space<vmem>>[vector<16xi32>], vector<16xi32>,
    %swap3A_46 = arith.constant 80 : index
    %swap3A_47 = tpu.vector_load %arg7[%swap3A_46] {strides = array<i32>} : memref<128xi32, #tpu.memory_space<vmem>>, vector<16xi32>,
    tpu.vector_store %arg7[%swap3A_46], %gather3A_45 {strides = array<i32>} : memref<128xi32, #tpu.memory_space<vmem>>, vector<16xi32>,
    %get3A_48 = arith.constant 96 : index
    %get3A_49 = tpu.vector_load %arg5[%get3A_48] {strides = array<i32>} : memref<128xi32, #tpu.memory_space<vmem>>, vector<16xi32>,
    %add3A_50 = arith.constant 1 : i32
    %add3A_51 = vector.broadcast %add3A_50 : i32 to vector<16xi32>
    %add3A_52 = arith.addi %get3A_49, %add3A_51 : vector<16xi32>
    %gather3A_53 = tpu.vector_load_idx %arg6[%add3A_52] : memref<40xi32, #tpu.memory_space<vmem>>[vector<16xi32>], vector<16xi32>,
    %swap3A_54 = arith.constant 96 : index
    %swap3A_55 = tpu.vector_load %arg7[%swap3A_54] {strides = array<i32>} : memref<128xi32, #tpu.memory_space<vmem>>, vector<16xi32>,
    tpu.vector_store %arg7[%swap3A_54], %gather3A_53 {strides = array<i32>} : memref<128xi32, #tpu.memory_space<vmem>>, vector<16xi32>,
    %get3A_56 = arith.constant 112 : index
    %get3A_57 = tpu.vector_load %arg5[%get3A_56] {strides = array<i32>} : memref<128xi32, #tpu.memory_space<vmem>>, vector<16xi32>,
    %add3A_58 = arith.constant 1 : i32
    %add3A_59 = vector.broadcast %add3A_58 : i32 to vector<16xi32>
    %add3A_60 = arith.addi %get3A_57, %add3A_59 : vector<16xi32>
    %gather3A_61 = tpu.vector_load_idx %arg6[%add3A_60] : memref<40xi32, #tpu.memory_space<vmem>>[vector<16xi32>], vector<16xi32>,
    %swap3A_62 = arith.constant 112 : index
    %swap3A_63 = tpu.vector_load %arg7[%swap3A_62] {strides = array<i32>} : memref<128xi32, #tpu.memory_space<vmem>>, vector<16xi32>,
    tpu.vector_store %arg7[%swap3A_62], %gather3A_61 {strides = array<i32>} : memref<128xi32, #tpu.memory_space<vmem>>, vector<16xi32>,
    "tpu.region"() ({
      %run_scoped3A = tpu.sem_alloc : memref<!tpu.dma_semaphore, #tpu.memory_space<semaphore_mem>>
      %dma_start3A = tpu.memref_slice %arg4[%mul3A_2] : memref<4096xi32, #tpu.memory_space<hbm>> -> memref<128xi32, #tpu.memory_space<hbm>>
      %dma_start3A_64 = tpu.memref_slice %arg4[%mul3A_2] : memref<4096xi32, #tpu.memory_space<hbm>> -> memref<128xi32, #tpu.memory_space<hbm>>
      tpu.enqueue_dma source(%arg7 : memref<128xi32, #tpu.memory_space<vmem>>) target(%dma_start3A_64 : memref<128xi32, #tpu.memory_space<hbm>>) target_semaphore(%run_scoped3A : memref<!tpu.dma_semaphore, #tpu.memory_space<semaphore_mem>>)
      %dma_wait3A = tpu.memref_slice %arg4[%mul3A_2] : memref<4096xi32, #tpu.memory_space<hbm>> -> memref<128xi32, #tpu.memory_space<hbm>>
      %dma_wait3A_65 = tpu.memref_slice %arg4[%mul3A_2] : memref<4096xi32, #tpu.memory_space<hbm>> -> memref<128xi32, #tpu.memory_space<hbm>>
      tpu.wait_dma2 semaphore(%run_scoped3A : memref<!tpu.dma_semaphore, #tpu.memory_space<semaphore_mem>>) src(%arg7 : memref<128xi32, #tpu.memory_space<vmem>>) dst(%dma_wait3A_65 : memref<128xi32, #tpu.memory_space<hbm>>)
      tpu.yield
    }) : () -> ()
    return
  }
}

module attributes {stable_mosaic.version = 14 : i64} {
  func.func @_tc_tail_body(%arg0: memref<100000xi32, #tpu.memory_space<vmem>>, %arg1: memref<22x1xi32, #tpu.memory_space<vmem>>, %arg2: memref<22x100000xf32, #tpu.memory_space<vmem>>) attributes {dimension_semantics = [], scalar_prefetch = 0 : i64, scratch_operands = 0 : i64, tpu.core_type = #tpu.core_type<tc>} {
    %get3A = arith.constant 0 : index
    %get3A_0 = vector.load %arg0[%get3A] : memref<100000xi32, #tpu.memory_space<vmem>>, vector<100000xi32>
    %reshape3A = vector.shape_cast %get3A_0 : vector<100000xi32> to vector<1x100000xi32>
    %add3A = arith.constant 1 : i32
    %add3A_1 = vector.broadcast %add3A : i32 to vector<1x100000xi32>
    %add3A_2 = arith.addi %reshape3A, %add3A_1 : vector<1x100000xi32>
    %get3A_3 = arith.constant 0 : index
    %get3A_4 = arith.constant 0 : index
    %get3A_5 = vector.load %arg1[%get3A_3, %get3A_4] : memref<22x1xi32, #tpu.memory_space<vmem>>, vector<22x1xi32>
    %iota3A = tpu.iota {dimensions = array<i32: 1>} : vector<1x100000xi32>
    %eq3A = vector.broadcast %add3A_2 : vector<1x100000xi32> to vector<22x100000xi32>
    %eq3A_6 = vector.broadcast %get3A_5 : vector<22x1xi32> to vector<22x100000xi32>
    %eq3A_7 = arith.cmpi eq, %eq3A, %eq3A_6 : vector<22x100000xi32>
    %ge3A = arith.constant 4096 : i32
    %ge3A_8 = vector.broadcast %ge3A : i32 to vector<1x100000xi32>
    %ge3A_9 = arith.cmpi sge, %iota3A, %ge3A_8 : vector<1x100000xi32>
    %and3A = vector.broadcast %ge3A_9 : vector<1x100000xi1> to vector<22x100000xi1>
    %and3A_10 = arith.andi %eq3A_7, %and3A : vector<22x100000xi1>
    %jit3A = arith.constant 1.500000e+00 : f32
    %jit3A_11 = arith.constant 0.000000e+00 : f32
    %broadcast_in_dim3A = vector.broadcast %jit3A : f32 to vector<22x100000xf32>
    %broadcast_in_dim3A_12 = vector.broadcast %jit3A_11 : f32 to vector<22x100000xf32>
    %select_n3A = arith.select %and3A_10, %broadcast_in_dim3A, %broadcast_in_dim3A_12 : vector<22x100000xi1>, vector<22x100000xf32>
    %swap3A = arith.constant 0 : index
    %swap3A_13 = arith.constant 0 : index
    %swap3A_14 = vector.load %arg2[%swap3A, %swap3A_13] : memref<22x100000xf32, #tpu.memory_space<vmem>>, vector<22x100000xf32>
    tpu.vector_store %arg2[%swap3A, %swap3A_13], %select_n3A {strides = array<i32>} : memref<22x100000xf32, #tpu.memory_space<vmem>>, vector<22x100000xf32>,
    return
  }
}

module attributes {stable_mosaic.version = 14 : i64} {
  func.func @_tc_head_body(%arg0: i32, %arg1: memref<4096xi32, #tpu.memory_space<vmem>>, %arg2: memref<22x4096xf32, #tpu.memory_space<vmem>>, %arg3: memref<22x4096xf32, #tpu.memory_space<vmem>>) attributes {dimension_semantics = [#tpu.dimension_semantics<arbitrary>], iteration_bounds = array<i64: 1>, scalar_prefetch = 0 : i64, scratch_operands = 0 : i64, tpu.core_type = #tpu.core_type<tc>, window_params = [{transform_indices = @transform_0, window_bounds = array<i64: 4096>}, {transform_indices = @transform_1, window_bounds = array<i64: 22, 4096>}, {transform_indices = @transform_2, window_bounds = array<i64: 22, 4096>}]} {
    %get3A = arith.constant 0 : index
    %get3A_0 = vector.load %arg1[%get3A] : memref<4096xi32, #tpu.memory_space<vmem>>, vector<4096xi32>
    %reshape3A = vector.shape_cast %get3A_0 : vector<4096xi32> to vector<1x4096xi32>
    %iota3A = tpu.iota {dimensions = array<i32: 0>} : vector<22x1xi32>
    %eq3A = vector.broadcast %reshape3A : vector<1x4096xi32> to vector<22x4096xi32>
    %eq3A_1 = vector.broadcast %iota3A : vector<22x1xi32> to vector<22x4096xi32>
    %eq3A_2 = arith.cmpi eq, %eq3A, %eq3A_1 : vector<22x4096xi32>
    %jit3A = arith.constant 1.500000e+00 : f32
    %jit3A_3 = arith.constant 0.000000e+00 : f32
    %broadcast_in_dim3A = vector.broadcast %jit3A : f32 to vector<22x4096xf32>
    %broadcast_in_dim3A_4 = vector.broadcast %jit3A_3 : f32 to vector<22x4096xf32>
    %select_n3A = arith.select %eq3A_2, %broadcast_in_dim3A, %broadcast_in_dim3A_4 : vector<22x4096xi1>, vector<22x4096xf32>
    %swap3A = arith.constant 0 : index
    %swap3A_5 = arith.constant 0 : index
    %swap3A_6 = vector.load %arg3[%swap3A, %swap3A_5] : memref<22x4096xf32, #tpu.memory_space<vmem>>, vector<22x4096xf32>
    tpu.vector_store %arg3[%swap3A, %swap3A_5], %select_n3A {strides = array<i32>} : memref<22x4096xf32, #tpu.memory_space<vmem>>, vector<22x4096xf32>,
    return
  }
  func.func @transform_0(%arg0: i32) -> i32 {
    %c0_i32 = arith.constant 0 : i32
    return %arg0 : i32
  }
  func.func @transform_1(%arg0: i32) -> (i32, i32) {
    %c0_i32 = arith.constant 0 : i32
    %c0_i32_0 = arith.constant 0 : i32
    return %c0_i32, %arg0 : i32, i32
  }
  func.func @transform_2(%arg0: i32) -> (i32, i32) {
    %c0_i32 = arith.constant 0 : i32
    %c0_i32_0 = arith.constant 0 : i32
    return %c0_i32, %arg0 : i32, i32
  }
}

</mosaic_0001>

<sc_bundles>
// kernel: kernel.5.cloned.1.call-start
scs
__scs_entry_jumppad:
0x0: {  	(pc) =	sbr.rel $0x88, $3  }
0x1: {  	(tag) =	ssettag $0x0;
	lr =	simm.s32 $0x1  }
0x2: {  	[smem:$0x3FA0] =	sst lr;
	_ =	strace $0xD0000000  }
0x3: {  	_ = 	snop  }
0x4: {  	_ = 	snop  }
0x5: {  	_ = 	snop  }
0x6: {  	_ = 	snop  }
0x7: {  	_ = 	snop  }
__scs_overlays_trampoline_lowered:
0x8: {  	[smem:$0x3FAF] =	sst s0  }
0x9: {  	[smem:$0x3FB0] =	sst s1  }
0xa: {  	[smem:$0x3FB1] =	sst s2  }
0xb: {  	[smem:$0x3FB2] =	sst s3  }
0xc: {  	[smem:$0x3FB3] =	sst s4  }
0xd: {  	[smem:$0x3FB4] =	sst s5  }
0xe: {  	[smem:$0x3FB5] =	sst s6  }
0xf: {  	[smem:$0x3FB6] =	sst s7  }
0x10: {  	[smem:$0x3FB7] =	sst s8  }
0x11: {  	[smem:$0x3FB8] =	sst s9;
	s0 =	simm.s32 @!p0 $0x0  }
0x12: {  	s1 =	sld [smem:$0x3F9E];
	s0 =	simm.s32 @p0 $0x1  }
0x13: {  	[smem:$0x3FB9] =	sst s0;
	s0 =	simm.s32 @!p1 $0x0  }
0x14: {  	s2 =	sld [smem:$0x3F9D];
	s0 =	simm.s32 @p1 $0x1  }
0x15: {  	[smem:$0x3FBA] =	sst s0;
	s0 =	simm.s32 @!p2 $0x0  }
0x16: {  	s3 =	sld [smem:$0x3FDB];
	s0 =	simm.s32 @p2 $0x1  }
0x17: {  	s4 =	simm.s32 $0x1BF5;
	[smem:$0x3FBC] =	sst s0  }
0x18: {  	s0 =	sld [smem:$0x3F9F];
	_ =	swait.ge [sflag:s4], $0x0  }
0x19: {  	s7 =	sld [smem:$0x3FA0]  }
0x1a: {  	s8 =	sadd.s32 $0xFFFFE003, lr  }
0x1b: {  	s9 =	sadd.s32 $0xFFFFFEF7, lr;
	s5 =	simm.s32 $0xFFFFFFFF;
	p2 =	slt.u32 s8, $0xFFFFF086  }
0x1c: {  	p1 =	slt.u32 s9, $0xF7A;
	s5 =	simm.s32 @!p2 $0x0  }
0x1d: {  	s5 =	simm.s32 @p1 $0x1;
	p0 =	seq.s32 s7, s2  }
0x1e: {  	s7 =	smul.u32 @!p0 $0xF7A, s2;
	p2 =	seq.s32 @!p0 s5, $0x0  }
0x1f: {  	s9 =	smul.u32 $0xF7A, s1;
	s8 =	simm.s32 @!p0 $0x1BF5;
	p2 =	por !p2, p0  }
0x20: {  	[sflag:s8] =	ssyncset.s32 @!p0 $0xFFFFF086;
	s6 =	sadd.s32 @!p0 s3, s7;
	s7 =	simm.s32 @!p0 $0x108  }
0x21: {  	s3 =	sadd.s32 s3, s9;
	s6 =	sadd.s32 @!p0 $0x88, s6;
	s7 =	simm.s32 @p2 $0x1082  }
0x22: {  	[simem:s7], [sflag:s8] =	dma.local @!p0 [hbm:s6], $0xF7A  }
0x23: {  	s9 =	sor.u32 $0xD0000000, s2;
	s6 =	simm.s32 $0x108;
	_ =	swait.ge @!p0 [sflag:s8], $0x0  }
0x24: {  	s3 =	sadd.s32 $0x88, s3;
	s6 =	simm.s32 @!p1 $0x1082;
	[sflag:s4] =	ssyncset.s32 $0xFFFFF086  }
0x25: {  	[simem:s6], [sflag:s4] =	dma.local [hbm:s3], $0xF7A  }
0x26: {  	[smem:$0x3FA0] =	sst s1;
	(tag) =	ssettag s2;
	_ =	strace s9  }
0x27: {  	s1 =	sld [smem:$0x3FB0]  }
0x28: {  	s2 =	sld [smem:$0x3FB1]  }
0x29: {  	s4 =	sld [smem:$0x3FB3]  }
0x2a: {  	p0 =	seq.s32 s5, $0x0;
	s5 =	sld [smem:$0x3FB4]  }
0x2b: {  	s6 =	sld [smem:$0x3FB5]  }
0x2c: {  	s7 =	sld [smem:$0x3FB6]  }
0x2d: {  	s3 =	simm.s32 $0x108;
	s8 =	sld [smem:$0x3FB7]  }
0x2e: {  	s3 =	simm.s32 @!p0 $0x1082;
	s9 =	sld [smem:$0x3FB8]  }
0x2f: {  	lr =	sadd.s32 s0, s3;
	s0 =	sld [smem:$0x3FAF]  }
0x30: {  	s3 =	sld [smem:$0x3FB2]  }
0x31: {  	[smem:$0x3FBB] =	sst s10  }
0x32: {  	s10 =	sld [smem:$0x3FB9];
	_ =	sdelay $0x3  }
0x33: {  	p0 =	seq.s32 s10, $0x1;
	s10 =	sld [smem:$0x3FBB];
	_ =	sdelay $0x3  }
0x34: {  	[smem:$0x3FBB] =	sst s10  }
0x35: {  	s10 =	sld [smem:$0x3FBA];
	_ =	sdelay $0x3  }
0x36: {  	p1 =	seq.s32 s10, $0x1;
	s10 =	sld [smem:$0x3FBB];
	_ =	sdelay $0x3  }
0x37: {  	[smem:$0x3FBB] =	sst s10  }
0x38: {  	s10 =	sld [smem:$0x3FBC]  }
0x39: {  	_ = 	snop;
	(pc) =	sbr.ind lr, $3  }
0x3a: {  	_ = 	snop  }
0x3b: {  	_ = 	snop  }
0x3c: {  	p2 =	seq.s32 s10, $0x1;
	s10 =	sld [smem:$0x3FBB]  }
0x3d: {  	_ =	shalt  }
0x3e: {  	_ =	shalt  }
0x3f: {  	_ =	shalt  }
0x40: {  	_ =	shalt  }
0x41: {  	_ =	shalt  }
0x42: {  	_ =	shalt  }
0x43: {  	_ =	shalt  }
0x44: {  	_ =	shalt  }
0x45: {  	_ =	shalt  }
0x46: {  	_ =	shalt  }
0x47: {  	_ =	shalt  }
0x48: {  	_ =	shalt  }
0x49: {  	_ =	shalt  }
0x4a: {  	_ =	shalt  }
0x4b: {  	_ =	shalt  }
0x4c: {  	_ =	shalt  }
0x4d: {  	_ =	shalt  }
0x4e: {  	_ =	shalt  }
0x4f: {  	_ =	shalt  }
0x50: {  	_ =	shalt  }
0x51: {  	_ =	shalt  }
0x52: {  	_ =	shalt  }
0x53: {  	_ =	shalt  }
0x54: {  	_ =	shalt  }
0x55: {  	_ =	shalt  }
0x56: {  	_ =	shalt  }
0x57: {  	_ =	shalt  }
0x58: {  	_ =	shalt  }
0x59: {  	_ =	shalt  }
0x5a: {  	_ =	shalt  }
0x5b: {  	_ =	shalt  }
0x5c: {  	_ =	shalt  }
0x5d: {  	_ =	shalt  }
0x5e: {  	_ =	shalt  }
0x5f: {  	_ =	shalt  }
0x60: {  	_ =	shalt  }
0x61: {  	_ =	shalt  }
0x62: {  	_ =	shalt  }
0x63: {  	_ =	shalt  }
0x64: {  	_ =	shalt  }
0x65: {  	_ =	shalt  }
0x66: {  	_ =	shalt  }
0x67: {  	_ =	shalt  }
0x68: {  	_ =	shalt  }
0x69: {  	_ =	shalt  }
0x6a: {  	_ =	shalt  }
0x6b: {  	_ =	shalt  }
0x6c: {  	_ =	shalt  }
0x6d: {  	_ =	shalt  }
0x6e: {  	_ =	shalt  }
0x6f: {  	_ =	shalt  }
0x70: {  	_ =	shalt  }
0x71: {  	_ =	shalt  }
0x72: {  	_ =	shalt  }
0x73: {  	_ =	shalt  }
0x74: {  	_ =	shalt  }
0x75: {  	_ =	shalt  }
0x76: {  	_ =	shalt  }
0x77: {  	_ =	shalt  }
0x78: {  	_ =	shalt  }
0x79: {  	_ =	shalt  }
0x7a: {  	_ =	shalt  }
0x7b: {  	_ =	shalt  }
0x7c: {  	_ =	shalt  }
0x7d: {  	_ =	shalt  }
0x7e: {  	_ =	shalt  }
0x7f: {  	_ =	shalt  }
0x80: {  	_ =	shalt  }
0x81: {  	_ =	shalt  }
0x82: {  	_ =	shalt  }
0x83: {  	_ =	shalt  }
0x84: {  	_ =	shalt  }
0x85: {  	_ =	shalt  }
0x86: {  	_ =	shalt  }
0x87: {  	_ =	shalt  }
.Lfunc_end0:
.L_simem_size_0:
called_computation_lowered:
.L_overlay_start_0:
0x88: {  	s2 =	sld [smem:$0x3FD9]  }
0x89: {  	s3 =	sld [smem:$0x3FFE];
	_ =	sdelay $0x1  }
0x8a: {  	s1 =	srdreg.scid  }
0x8b: {  	s0 =	sand.u32 $0x1, s1  }
0x8c: {  	s16 =	sshll.u32 s0, $0xA;
	s2 =	sadd.s32 s3, s2  }
0x8d: {  	s2 =	sadd.s32 s2, s16  }
0x8e: {  	[smem:$0x3FC7] =	sst s2  }
0x8f: {  	_ = 	snop  }
0x90: {  	(tm) =	ssettm $0x1  }
0x91: {  	s17 =	sld [smem:$0x3FFB];
	_ =	sdelay $0x3  }
0x92: {  	_ =	strace s17  }
0x93: {  	s2 =	sld [smem:$0x3FFC];
	_ =	sdelay $0x3  }
0x94: {  	_ =	strace s2  }
0x95: {  	s2 =	sld [smem:$0x3FFD];
	_ =	sdelay $0x3  }
0x96: {  	_ =	strace s2  }
0x97: {  	_ =	strace $0x8FFFFFFF  }
0x98: {  	s18 =	sld [smem:$0x3FDB];
	_ =	sdelay $0x1  }
0x99: {  	s19 =	simm.s32 $_scs_section_size  }
0x9a: {  	s4 =	simm.s32 $_size__tile_overlayer_lowered;
	s5 =	simm.s32 $_tile_overlayer_lowered  }
0x9b: {  	s22 =	simm.s32 $0x1BFF;
	s21 =	sshll.u32 s5, $0x1;
	s2 =	sadd.s32 s19, s18  }
0x9c: {  	s6 =	simm.s32 $0x0;
	s20 =	sshll.u32 s4, $0x1;
	s4 =	sadd.s32 s21, s2  }
0x9d: {  	[timem:s6], [sflag:s22] =	dma.local [hbm:s4], s20  }
0x9e: {  	_ =	swait.ge [sflag:s22], s20  }
0x9f: {  	s3 =	ssub.s32 $0x0, s20;
	[sflag:s22] =	ssyncset.done $0x0  }
0xa0: {  	[sflag:s22] =	ssyncadd.s32 s3;
	_ =	sdelay $0x1  }
0xa1: {  	s23 =	simm.s32 $0x1B8B  }
0xa2: {  	_ =	swait.ge [sflag:s23], $0x1  }
0xa3: {  	[sflag:s23] =	ssyncset.done $0x0  }
0xa4: {  	s25 =	simm.s32 $0x1B8E;
	s24 =	sld [smem:$0x3FFE];
	[sflag:s23] =	ssyncadd.s32 $0xFFFFFFFF  }
0xa5: {  	s26 =	simm.s32 $execute0_lowered;
	[smem:$0x3FD2] =	sst s25  }
0xa6: {  	s4 =	sshll.u32 s26, $0x1;
	_ =	strace $0x80000046;
	[dreg:$0x1] =	wrdreg $0xFFFFFFFF  }
0xa7: {  	s28 =	simm.s32 $_size_execute0_lowered;
	s2 =	sadd.s32 s2, s4;
	[dreg:$0x0] =	wrdreg $0x0  }
0xa8: {  	s4 =	sshll.u32 s28, $0x1;
	[dreg:$0x2] =	wrdreg s2  }
0xa9: {  	[dreg:$0x3] =	wrdreg s4  }
0xaa: {  	[dreg:$0x4] =	wrdreg $0xC0  }
0xab: {  	_ =	task [dreg:s6], $0x5FFFF  }
0xac: {  	[dreg:$0x1] =	wrdreg $0xFFFFFFFF  }
0xad: {  	[dreg:$0x0] =	wrdreg $0x60  }
0xae: {  	[dreg:$0x2] =	wrdreg s24  }
0xaf: {  	[dreg:$0x3] =	wrdreg $0x9  }
0xb0: {  	_ =	task.clear_ibuf [dreg:s6], $0x4FFFF;
	_ =	strace $0x90000046  }
0xb1: {  	s29 =	simm.s32 $0x9;
	_ =	strace $0x80000048  }
0xb2: {  	_ =	swait.ge [sflag:s29], $0x1  }
0xb3: {  	[sflag:s29] =	ssyncadd.s32 $0xFFFFFFFF  }
0xb4: {  	_ =	strace $0x90000048  }
0xb5: {  	_ =	sfence  }
0xb6: {  	s30 =	sld [smem:$0x0];
	_ =	sdelay $0x2  }
0xb7: {  	s31 =	sshll.u32 s1, $0xD;
	s1 =	sshrl.u32 s1, $0x2  }
0xb8: {  	s3 =	sand.u32 $0x4000, s31;
	s1 =	sadd.s32 s1, s30  }
0xb9: {  	s0 =	sor.u32 s3, s0;
	s1 =	sshll.u32 s1, $0x11  }
0xba: {  	s0 =	sor.u32 s1, s0  }
0xbb: {  	s0 =	sadd.s32 $0x8F2B, s0  }
0xbc: {  	[sflag:s0] =	ssyncadd.remote.s32 $0x1  }
0xbd: {  	_ =	sfence.sel $0xFFFF  }
0xbe: {  	[dreg:$0x0] =	wrdreg $0xFFFFFFFF;
	(pc) =	sbr.abs _section_cstart, $3  }
0xbf: {  	[dreg:$0x1] =	wrdreg $0xFFFFFFFF  }
0xc0: {  	_ =	task.clear_ibuf [dreg:s6], $0x2FFFF;
	_ =	strace $0x9FFFFFFF  }
0xc1: {  	(tm) =	ssettm $0x7FFFFFFF  }
tec
execute0_lowered:
.L_overlay_start_1:
0x0: {  	(tag) =	ssettag $0x1  }
0x1: {  	s1 =	srdreg.scid  }
0x2: {  	s0 =	stileid.u32;
	s7 =	sand.u32 $0x1, s1  }
0x3: {  	s5 =	rddreg [dreg:$0x0];
	s3 =	sshll.u32 s0, $0x5;
	s4 =	sshll.u32 s7, $0x4  }
0x4: {  	s2 =	simm.s32 $0x0;
	s1 =	rddreg [dreg:$0x1];
	s3 =	sor.u32 s4, s3  }
0x5: {  	[smem:$0x7FF] =	sst s2;
	s8 =	sadd.s32 s3, s5  }
0x6: {  	_ =	strace $0x80000047;
	s3 =	simm.s32 $0x1;
	s4 =	sadd.s32 $0x600, s8  }
0x7: {  	[tilespmem:s2], [sflag:$0x1] =	stream.linear.gather [hbm4b:s4+s2], $0x80, $0x38;
	[tilespmem:$0x180] =	vst v63  }
0x8: {  	_ =	swait.ge [sflag:s3], $0x80  }
0x9: {  	[sflag:s3] =	ssyncset.done $0x0  }
0xa: {  	s6 =	simm.s32 $0x80;
	s5 =	sadd.s32 $0x3800, s5;
	[sflag:s3] =	ssyncadd.s32 $0xFFFFFF80  }
0xb: {  	[tilespmem:s6], [sflag:$0x1] =	stream.linear.gather [hbm4b:s5+s2], $0x80, $0x38;
	[tilespmem:$0x180] =	vst v63  }
0xc: {  	_ =	swait.ge [sflag:s3], $0x80  }
0xd: {  	[sflag:s3] =	ssyncset.done $0x0  }
0xe: {  	[sflag:s3] =	ssyncadd.s32 $0xFFFFFF80  }
0xf: {  	v0 =	vld [tilespmem:$0x0];
	_ =	sdelay $0x4  }
0x10: {  	v0 =	vadd.s32 $0x1, v0  }
0x11: {  	v1 =	vld [tilespmem:$0x10];
	_ =	sdelay $0x3  }
0x12: {  	v0 =	vld.idx.msk [tilespmem:v0+s6+$0x0], $0xffff  }
0x13: {  	v1 =	vadd.s32 $0x1, v1  }
0x14: {  	v2 =	vld [tilespmem:$0x20];
	_ =	sdelay $0x2  }
0x15: {  	[tilespmem:$0x100] =	vst v0  }
0x16: {  	v0 =	vld.idx.msk [tilespmem:v1+s6+$0x0], $0xffff  }
0x17: {  	v53 =	vadd.s32 $0x1, v2  }
0x18: {  	v54 =	vld [tilespmem:$0x30];
	_ =	sdelay $0x2  }
0x19: {  	[tilespmem:$0x110] =	vst v0  }
0x1a: {  	v0 =	vld.idx.msk [tilespmem:v53+s6+$0x0], $0xffff  }
0x1b: {  	v55 =	vadd.s32 $0x1, v54  }
0x1c: {  	v56 =	vld [tilespmem:$0x40];
	_ =	sdelay $0x2  }
0x1d: {  	[tilespmem:$0x120] =	vst v0  }
0x1e: {  	v0 =	vld.idx.msk [tilespmem:v55+s6+$0x0], $0xffff  }
0x1f: {  	v57 =	vadd.s32 $0x1, v56  }
0x20: {  	v58 =	vld [tilespmem:$0x50];
	_ =	sdelay $0x2  }
0x21: {  	[tilespmem:$0x130] =	vst v0  }
0x22: {  	v0 =	vld.idx.msk [tilespmem:v57+s6+$0x0], $0xffff  }
0x23: {  	v59 =	vadd.s32 $0x1, v58  }
0x24: {  	v60 =	vld [tilespmem:$0x60];
	_ =	sdelay $0x2  }
0x25: {  	[tilespmem:$0x140] =	vst v0  }
0x26: {  	v0 =	vld.idx.msk [tilespmem:v59+s6+$0x0], $0xffff  }
0x27: {  	v61 =	vadd.s32 $0x1, v60  }
0x28: {  	v62 =	vld [tilespmem:$0x70];
	_ =	sdelay $0x2  }
0x29: {  	[tilespmem:$0x150] =	vst v0  }
0x2a: {  	v0 =	vld.idx.msk [tilespmem:v61+s6+$0x0], $0xffff  }
0x2b: {  	v63 =	vadd.s32 $0x1, v62;
	_ =	sdelay $0x3  }
0x2c: {  	s7 =	ssub.s32 $0x2, s7;
	[tilespmem:$0x160] =	vst v0  }
0x2d: {  	s9 =	sshrl.u32 s7, $0x1;
	v0 =	vld.idx.msk [tilespmem:v63+s6+$0x0], $0xffff  }
0x2e: {  	s9 =	ssub.s32 s7, s9  }
0x2f: {  	s9 =	smax.u32 s9, $0x1  }
0x30: {  	p0 =	sne.s32 s9, $0x1  }
.Ltmp0:
0x31: {  	_ = 	snop;
	(pc) =	sbr.rel @!p0 .LBB2_2-.Ltmp0, $4  }
0x32: {  	s7 =	sadd.s32 $0x3A00, s8;
	s8 =	simm.s32 $0x100;
	[tilespmem:$0x170] =	vst v0  }
0x33: {  	[hbm4b:s7+s2] =	stream.linear.scatter [tilespmem:s8], [sflag:$0x1], $0x80, $0x38;
	[tilespmem:$0x180] =	vst v63  }
0x34: {  	_ =	swait.ge [sflag:s3], $0x80  }
0x35: {  	s9 =	sadd.s32 $0xFFFFFFFF, s9;
	[sflag:s3] =	ssyncset.done $0x0  }
.LBB2_1:
0x36: {  	p0 =	sne.s32 s9, $0x1;
	s9 =	sadd.s32 $0xFFFFFFFF, s9;
	[sflag:s3] =	ssyncadd.s32 $0xFFFFFF80  }
0x37: {  	[tilespmem:s2], [sflag:$0x1] =	stream.linear.gather [hbm4b:s4+s2], $0x80, $0x38;
	[tilespmem:$0x180] =	vst v63  }
0x38: {  	_ =	swait.ge [sflag:s3], $0x80  }
0x39: {  	[sflag:s3] =	ssyncset.done $0x0  }
0x3a: {  	[sflag:s3] =	ssyncadd.s32 $0xFFFFFF80  }
0x3b: {  	[tilespmem:s6], [sflag:$0x1] =	stream.linear.gather [hbm4b:s5+s2], $0x80, $0x38;
	[tilespmem:$0x180] =	vst v63  }
0x3c: {  	_ =	swait.ge [sflag:s3], $0x80  }
0x3d: {  	[sflag:s3] =	ssyncset.done $0x0  }
0x3e: {  	[sflag:s3] =	ssyncadd.s32 $0xFFFFFF80  }
0x3f: {  	v0 =	vld [tilespmem:$0x0]  }
0x40: {  	v1 =	vld [tilespmem:$0x10]  }
0x41: {  	v2 =	vld [tilespmem:$0x20]  }
0x42: {  	v3 =	vld [tilespmem:$0x30]  }
0x43: {  	v4 =	vld [tilespmem:$0x40]  }
0x44: {  	v0 =	vadd.s32 $0x1, v0;
	v5 =	vld [tilespmem:$0x50]  }
0x45: {  	v6 =	vld [tilespmem:$0x60]  }
0x46: {  	v7 =	vld [tilespmem:$0x70];
	_ =	sdelay $0x2  }
0x47: {  	v0 =	vld.idx.msk [tilespmem:v0+s6+$0x0], $0xffff;
	_ =	sdelay $0x1  }
0x48: {  	v1 =	vadd.s32 $0x1, v1;
	_ =	sdelay $0x3  }
0x49: {  	[tilespmem:$0x100] =	vst v0  }
0x4a: {  	v0 =	vld.idx.msk [tilespmem:v1+s6+$0x0], $0xffff;
	_ =	sdelay $0x1  }
0x4b: {  	v1 =	vadd.s32 $0x1, v2;
	_ =	sdelay $0x3  }
0x4c: {  	[tilespmem:$0x110] =	vst v0  }
0x4d: {  	v0 =	vld.idx.msk [tilespmem:v1+s6+$0x0], $0xffff;
	_ =	sdelay $0x1  }
0x4e: {  	v1 =	vadd.s32 $0x1, v3;
	_ =	sdelay $0x3  }
0x4f: {  	[tilespmem:$0x120] =	vst v0  }
0x50: {  	v0 =	vld.idx.msk [tilespmem:v1+s6+$0x0], $0xffff;
	_ =	sdelay $0x1  }
0x51: {  	v1 =	vadd.s32 $0x1, v4;
	_ =	sdelay $0x3  }
0x52: {  	[tilespmem:$0x130] =	vst v0  }
0x53: {  	v0 =	vld.idx.msk [tilespmem:v1+s6+$0x0], $0xffff;
	_ =	sdelay $0x1  }
0x54: {  	v1 =	vadd.s32 $0x1, v5;
	_ =	sdelay $0x3  }
0x55: {  	[tilespmem:$0x140] =	vst v0  }
0x56: {  	v0 =	vld.idx.msk [tilespmem:v1+s6+$0x0], $0xffff;
	_ =	sdelay $0x1  }
0x57: {  	v1 =	vadd.s32 $0x1, v6;
	_ =	sdelay $0x3  }
0x58: {  	[tilespmem:$0x150] =	vst v0  }
0x59: {  	v0 =	vld.idx.msk [tilespmem:v1+s6+$0x0], $0xffff;
	_ =	sdelay $0x1  }
0x5a: {  	v1 =	vadd.s32 $0x1, v7;
	_ =	sdelay $0x3  }
0x5b: {  	[tilespmem:$0x160] =	vst v0  }
0x5c: {  	v0 =	vld.idx.msk [tilespmem:v1+s6+$0x0], $0xffff;
	_ =	sdelay $0x4  }
.Ltmp1:
0x5d: {  	(pc) =	sbr.rel @p0 .LBB2_1-.Ltmp1, $4  }
0x5e: {  	[tilespmem:$0x170] =	vst v0  }
0x5f: {  	[hbm4b:s7+s2] =	stream.linear.scatter [tilespmem:s8], [sflag:$0x1], $0x80, $0x38;
	[tilespmem:$0x180] =	vst v63  }
0x60: {  	_ =	swait.ge [sflag:s3], $0x80  }
0x61: {  	[sflag:s3] =	ssyncset.done $0x0  }
.LBB2_2:
0x62: {  	[sflag:s3] =	ssyncadd.s32 $0xFFFFFF80  }
0x63: {  	_ =	sfence.sel $0x180000  }
0x64: {  	[bflag:$0x0] =	sbarrier.arrive $0xFFFF  }
0x65: {  	p0 =	sne.s32 s0, $0x0;
	_ =	strace $0x90000047  }
0x66: {  	s0 =	sadd.s32 @!p0 $0x100000, s1;
	[bflag:$0x2] =	sbarrier.arrive $0xFFFF  }
0x67: {  	[sflag:s0] =	ssyncadd.tile.s32 @!p0 $0x1;
	_ =	shalt  }
.Lfunc_end2:
_tile_overlayer_lowered:
.L_overlay_start_2:
0x68: {  	(tag) =	ssettag $0x2  }
0x69: {  	s0 =	rddreg [dreg:$0x0];
	s2 =	stileid.u32  }
0x6a: {  	s1 =	rddreg [dreg:$0x1];
	p0 =	sne.s32 s2, $0x0  }
0x6b: {  	s3 =	rddreg [dreg:$0x2];
	[bflag:$0x3] =	sbarrier.arrive $0xFFFF;
	s2 =	simm.s32 @!p0 $0x1C01  }
0x6c: {  	[timem:s3], [sflag:s2] =	dma.local @!p0 [hbm:s0], s1  }
0x6d: {  	s0 =	simm.s32 @!p0 $0x1  }
0x6e: {  	_ =	swait.ge @!p0 [sflag:s0], s1  }
0x6f: {  	s1 =	ssub.s32 @!p0 $0x0, s1;
	[sflag:s0] =	ssyncset.done @!p0 $0x0  }
0x70: {  	[sflag:s0] =	ssyncadd.s32 @!p0 s1  }
0x71: {  	[bflag:$0x3] =	sbarrier.arrive $0xFFFF  }
0x72: {  	_ =	shalt  }

</sc_bundles>
